<compile_context>
chip_gen: v7x
topology: tpu7x:2x2x1
jax: 0.10.2.dev20260603
libtpu: 0.0.44.dev20260713+nightly
codegen_flags: <defaults>
</compile_context>

<pallas_src>
import functools

import jax
import jax.numpy as jnp
from jax import lax
from jax.experimental import pallas as pl
from jax.experimental.pallas import tpu as pltpu
from jax.experimental.pallas import tpu_sc as plsc

_NC = 2
_NS = 16
_CH = 256


@functools.partial(jax.jit, static_argnums=(1, 2))
def _sc_swap(x, n, c):
    nw = _NC * _NS
    rpw = n // nw
    half = n // 2
    nch = rpw // _CH
    mesh = plsc.VectorSubcoreMesh(core_axis_name="c", subcore_axis_name="s")

    @functools.partial(
        pl.kernel,
        mesh=mesh,
        out_type=jax.ShapeDtypeStruct((n, c), jnp.float32),
        scratch_types=[
            pltpu.VMEM((2, _CH, c), jnp.float32),
            pltpu.SemaphoreType.DMA,
            pltpu.SemaphoreType.DMA,
        ],
    )
    def k(x_hbm, out_hbm, buf, in_sem, out_sem):
        wid = lax.axis_index("s") * _NC + lax.axis_index("c")
        dst0 = wid * rpw
        src0 = lax.rem(dst0 + half, n)

        def in_copy(i, slot):
            return pltpu.make_async_copy(
                x_hbm.at[pl.ds(src0 + i * _CH, _CH)], buf.at[slot], in_sem)

        def out_copy(i, slot):
            return pltpu.make_async_copy(
                buf.at[slot], out_hbm.at[pl.ds(dst0 + i * _CH, _CH)], out_sem)

        in_copy(0, 0).start()

        def body(i, carry):
            slot = lax.rem(i, 2)
            nslot = lax.rem(i + 1, 2)

            @pl.when(i >= 1)
            def _():
                out_copy(i - 1, nslot).wait()

            @pl.when(i + 1 < nch)
            def _():
                in_copy(i + 1, nslot).start()

            in_copy(i, slot).wait()
            out_copy(i, slot).start()
            return carry

        lax.fori_loop(0, nch, body, 0)
        out_copy(nch - 1, lax.rem(nch - 1, 2)).wait()

    return k(x)


def kernel(x):
    n, c = x.shape
    return _sc_swap(x, n, c)

# --- scband reference (transcript-rebuilt; emitter-appended) ---
"""Pipeline reference for scband-xgate-56573309222983 (READ-ONLY COPY).

The authoritative reference and input builder live on the scoring server;
editing this copy changes nothing except your own understanding.
"""

import jax, jax.numpy as jnp
import numpy as np
import math

D = 2
S = 1
INDEX = 0


def setup_inputs(seed: int = 0) -> dict:
    key = jax.random.key(seed)
    x = jax.random.normal(key, (1048576, 32), dtype=jnp.float32)
    return {"x": x}


def _kron_coo(r1, c1, v1, D2, r2, c2, v2):
    # emulates the torch sparse kron: pos = idx1*D2 + idx2, val = outer(v1, v2)
    rows = (r1[:, None] * D2 + r2[None, :]).reshape(-1)
    cols = (c1[:, None] * D2 + c2[None, :]).reshape(-1)
    vals = (v1[:, None] * v2[None, :]).reshape(-1)
    return rows, cols, vals


def _build_U_coo(L):
    # M (X gate): M[j, i] = <e_j, e_{(i+S) % D}> -> nonzero at row (i+S)%D, col i, value 1
    m_cols = jnp.arange(D, dtype=jnp.int32)
    m_rows = (m_cols + S) % D
    m_vals = jnp.ones(D, dtype=jnp.float32)
    # eye(1): single nonzero at (0, 0) with value 1
    rows = jnp.zeros(1, dtype=jnp.int32)
    cols = jnp.zeros(1, dtype=jnp.int32)
    vals = jnp.ones(1, dtype=jnp.float32)
    e_idx = jnp.arange(D, dtype=jnp.int32)
    e_vals = jnp.ones(D, dtype=jnp.float32)
    for i in range(L):
        if i == INDEX:
            rows, cols, vals = _kron_coo(rows, cols, vals, D, m_rows, m_cols, m_vals)
        else:
            rows, cols, vals = _kron_coo(rows, cols, vals, D, e_idx, e_idx, e_vals)
    return rows, cols, vals


def reference(x):
    L = round(math.log(x.shape[0], D))
    rows, cols, vals = _build_U_coo(L)
    # sparse matvec: out[r] += U[r, c] * x[c]  (gather on cols, scatter-add on rows)
    out = jnp.zeros(x.shape, x.dtype).at[rows].add(vals[:, None] * x[cols])
    return out

if __name__ == "__main__":
    import jax
    _d = setup_inputs()
    print(jax.jit(kernel)(*tuple(_d.values())))

</pallas_src>

<mosaic_0001>
#map = affine_map<(d0, d1) -> (0, 0)>
module attributes {stable_mosaic.version = 14 : i64} {
  func.func @k(%arg0: i32, %arg1: i32, %arg2: memref<1048576x32xf32, #tpu.memory_space<hbm>>, %arg3: memref<1048576x32xf32, #tpu.memory_space<hbm>>, %arg4: memref<2x256x32xf32, #tpu.memory_space<vmem>>, %arg5: memref<!tpu.dma_semaphore, #tpu.memory_space<semaphore_mem>>, %arg6: memref<!tpu.dma_semaphore, #tpu.memory_space<semaphore_mem>>) attributes {dimension_semantics = [#tpu.dimension_semantics<core_parallel>, #tpu.dimension_semantics<subcore_parallel>], iteration_bounds = array<i64: 2, 16>, scalar_prefetch = 0 : i64, scratch_operands = 3 : i64, tpu.core_type = #tpu.core_type<sc_vector_subcore>, window_params = [{transform_indices = #map}, {transform_indices = #map}]} {
    %mul3A = arith.constant 2 : i32
    %mul3A_0 = arith.muli %arg1, %mul3A : i32
    %add3A = arith.addi %mul3A_0, %arg0 : i32
    %mul3A_1 = arith.constant 32768 : i32
    %mul3A_2 = arith.muli %add3A, %mul3A_1 : i32
    %add3A_3 = arith.constant 524288 : i32
    %add3A_4 = arith.addi %mul3A_2, %add3A_3 : i32
    %rem3A = arith.constant 1048576 : i32
    %rem3A_5 = arith.remsi %add3A_4, %rem3A : i32
    %add3A_6 = arith.constant 0 : i32
    %add3A_7 = arith.addi %rem3A_5, %add3A_6 : i32
    %dma_start3A = arith.constant 0 : i32
    %dma_start3A_8 = arith.constant 0 : i32
    %dma_start3A_9 = arith.constant 0 : i32
    %dma_start3A_10 = tpu.memref_slice %arg4[%dma_start3A, %dma_start3A_8, %dma_start3A_9] : memref<2x256x32xf32, #tpu.memory_space<vmem>> -> memref<1x256x32xf32, #tpu.memory_space<vmem>>
    %dma_start3A_11 = tpu.memref_squeeze %dma_start3A_10 : memref<1x256x32xf32, #tpu.memory_space<vmem>> -> memref<256x32xf32, #tpu.memory_space<vmem>>
    %dma_start3A_12 = arith.constant 0 : i32
    %dma_start3A_13 = tpu.memref_slice %arg2[%add3A_7, %dma_start3A_12] : memref<1048576x32xf32, #tpu.memory_space<hbm>> -> memref<256x32xf32, #tpu.memory_space<hbm>>
    %dma_start3A_14 = arith.constant 0 : i32
    %dma_start3A_15 = arith.constant 0 : i32
    %dma_start3A_16 = tpu.memref_slice %arg4[%dma_start3A, %dma_start3A_14, %dma_start3A_15] : memref<2x256x32xf32, #tpu.memory_space<vmem>> -> memref<1x256x32xf32, #tpu.memory_space<vmem>>
    %dma_start3A_17 = tpu.memref_squeeze %dma_start3A_16 : memref<1x256x32xf32, #tpu.memory_space<vmem>> -> memref<256x32xf32, #tpu.memory_space<vmem>>
    %dma_start3A_18 = arith.constant 0 : i32
    %dma_start3A_19 = tpu.memref_slice %arg2[%add3A_7, %dma_start3A_18] : memref<1048576x32xf32, #tpu.memory_space<hbm>> -> memref<256x32xf32, #tpu.memory_space<hbm>>
    tpu.enqueue_dma source(%dma_start3A_19 : memref<256x32xf32, #tpu.memory_space<hbm>>) target(%dma_start3A_17 : memref<256x32xf32, #tpu.memory_space<vmem>>) target_semaphore(%arg5 : memref<!tpu.dma_semaphore, #tpu.memory_space<semaphore_mem>>)
    %scan3A = arith.constant 0 : i32
    %scan3A_20 = arith.constant 0 : i32
    %scan3A_21 = arith.constant 128 : i32
    %scan3A_22 = arith.addi %scan3A_20, %scan3A_21 : i32
    %scan3A_23 = arith.constant 1 : i32
    scf.for %scan3A_41 = %scan3A_20 to %scan3A_22 step %scan3A_23  : i32 {
      %rem3A_42 = arith.constant 2 : i32
      %rem3A_43 = arith.remsi %scan3A_41, %rem3A_42 : i32
      %add3A_44 = arith.constant 1 : i32
      %add3A_45 = arith.addi %scan3A_41, %add3A_44 : i32
      %rem3A_46 = arith.constant 2 : i32
      %rem3A_47 = arith.remsi %add3A_45, %rem3A_46 : i32
      %ge3A = arith.constant 1 : i32
      %ge3A_48 = arith.cmpi sge, %scan3A_41, %ge3A : i32
      %convert_element_type3A = arith.extui %ge3A_48 : i1 to i32
      %cond3A = arith.constant 0 : i32
      %cond3A_49 = arith.cmpi ne, %convert_element_type3A, %cond3A : i32
      scf.if %cond3A_49 {
        %sub3A = arith.constant 1 : i32
        %sub3A_86 = arith.subi %scan3A_41, %sub3A : i32
        %mul3A_87 = arith.constant 256 : i32
        %mul3A_88 = arith.muli %sub3A_86, %mul3A_87 : i32
        %add3A_89 = arith.addi %mul3A_2, %mul3A_88 : i32
        %dma_wait3A_90 = arith.constant 0 : i32
        %dma_wait3A_91 = arith.constant 0 : i32
        %dma_wait3A_92 = tpu.memref_slice %arg4[%rem3A_47, %dma_wait3A_90, %dma_wait3A_91] : memref<2x256x32xf32, #tpu.memory_space<vmem>> -> memref<1x256x32xf32, #tpu.memory_space<vmem>>
        %dma_wait3A_93 = tpu.memref_squeeze %dma_wait3A_92 : memref<1x256x32xf32, #tpu.memory_space<vmem>> -> memref<256x32xf32, #tpu.memory_space<vmem>>
        %dma_wait3A_94 = arith.constant 0 : i32
        %dma_wait3A_95 = tpu.memref_slice %arg3[%add3A_89, %dma_wait3A_94] : memref<1048576x32xf32, #tpu.memory_space<hbm>> -> memref<256x32xf32, #tpu.memory_space<hbm>>
        %dma_wait3A_96 = arith.constant 0 : i32
        %dma_wait3A_97 = tpu.memref_slice %arg3[%add3A_89, %dma_wait3A_96] : memref<1048576x32xf32, #tpu.memory_space<hbm>> -> memref<256x32xf32, #tpu.memory_space<hbm>>
        %dma_wait3A_98 = arith.constant 0 : i32
        %dma_wait3A_99 = arith.constant 0 : i32
        %dma_wait3A_100 = tpu.memref_slice %arg4[%rem3A_47, %dma_wait3A_98, %dma_wait3A_99] : memref<2x256x32xf32, #tpu.memory_space<vmem>> -> memref<1x256x32xf32, #tpu.memory_space<vmem>>
        %dma_wait3A_101 = tpu.memref_squeeze %dma_wait3A_100 : memref<1x256x32xf32, #tpu.memory_space<vmem>> -> memref<256x32xf32, #tpu.memory_space<vmem>>
        tpu.wait_dma2 semaphore(%arg6 : memref<!tpu.dma_semaphore, #tpu.memory_space<semaphore_mem>>) src(%dma_wait3A_101 : memref<256x32xf32, #tpu.memory_space<vmem>>) dst(%dma_wait3A_97 : memref<256x32xf32, #tpu.memory_space<hbm>>)
      } else {
      }
      %add3A_50 = arith.constant 1 : i32
      %add3A_51 = arith.addi %scan3A_41, %add3A_50 : i32
      %lt3A = arith.constant 128 : i32
      %lt3A_52 = arith.cmpi slt, %add3A_51, %lt3A : i32
      %convert_element_type3A_53 = arith.extui %lt3A_52 : i1 to i32
      %cond3A_54 = arith.constant 0 : i32
      %cond3A_55 = arith.cmpi ne, %convert_element_type3A_53, %cond3A_54 : i32
      scf.if %cond3A_55 {
        %add3A_86 = arith.constant 1 : i32
        %add3A_87 = arith.addi %scan3A_41, %add3A_86 : i32
        %mul3A_88 = arith.constant 256 : i32
        %mul3A_89 = arith.muli %add3A_87, %mul3A_88 : i32
        %add3A_90 = arith.addi %rem3A_5, %mul3A_89 : i32
        %dma_start3A_91 = arith.constant 0 : i32
        %dma_start3A_92 = arith.constant 0 : i32
        %dma_start3A_93 = tpu.memref_slice %arg4[%rem3A_47, %dma_start3A_91, %dma_start3A_92] : memref<2x256x32xf32, #tpu.memory_space<vmem>> -> memref<1x256x32xf32, #tpu.memory_space<vmem>>
        %dma_start3A_94 = tpu.memref_squeeze %dma_start3A_93 : memref<1x256x32xf32, #tpu.memory_space<vmem>> -> memref<256x32xf32, #tpu.memory_space<vmem>>
        %dma_start3A_95 = arith.constant 0 : i32
        %dma_start3A_96 = tpu.memref_slice %arg2[%add3A_90, %dma_start3A_95] : memref<1048576x32xf32, #tpu.memory_space<hbm>> -> memref<256x32xf32, #tpu.memory_space<hbm>>
        %dma_start3A_97 = arith.constant 0 : i32
        %dma_start3A_98 = arith.constant 0 : i32
        %dma_start3A_99 = tpu.memref_slice %arg4[%rem3A_47, %dma_start3A_97, %dma_start3A_98] : memref<2x256x32xf32, #tpu.memory_space<vmem>> -> memref<1x256x32xf32, #tpu.memory_space<vmem>>
        %dma_start3A_100 = tpu.memref_squeeze %dma_start3A_99 : memref<1x256x32xf32, #tpu.memory_space<vmem>> -> memref<256x32xf32, #tpu.memory_space<vmem>>
        %dma_start3A_101 = arith.constant 0 : i32
        %dma_start3A_102 = tpu.memref_slice %arg2[%add3A_90, %dma_start3A_101] : memref<1048576x32xf32, #tpu.memory_space<hbm>> -> memref<256x32xf32, #tpu.memory_space<hbm>>
        tpu.enqueue_dma source(%dma_start3A_102 : memref<256x32xf32, #tpu.memory_space<hbm>>) target(%dma_start3A_100 : memref<256x32xf32, #tpu.memory_space<vmem>>) target_semaphore(%arg5 : memref<!tpu.dma_semaphore, #tpu.memory_space<semaphore_mem>>)
      } else {
      }
      %mul3A_56 = arith.constant 256 : i32
      %mul3A_57 = arith.muli %scan3A_41, %mul3A_56 : i32
      %add3A_58 = arith.addi %rem3A_5, %mul3A_57 : i32
      %dma_wait3A_59 = arith.constant 0 : i32
      %dma_wait3A_60 = arith.constant 0 : i32
      %dma_wait3A_61 = tpu.memref_slice %arg4[%rem3A_43, %dma_wait3A_59, %dma_wait3A_60] : memref<2x256x32xf32, #tpu.memory_space<vmem>> -> memref<1x256x32xf32, #tpu.memory_space<vmem>>
      %dma_wait3A_62 = tpu.memref_squeeze %dma_wait3A_61 : memref<1x256x32xf32, #tpu.memory_space<vmem>> -> memref<256x32xf32, #tpu.memory_space<vmem>>
      %dma_wait3A_63 = arith.constant 0 : i32
      %dma_wait3A_64 = tpu.memref_slice %arg2[%add3A_58, %dma_wait3A_63] : memref<1048576x32xf32, #tpu.memory_space<hbm>> -> memref<256x32xf32, #tpu.memory_space<hbm>>
      %dma_wait3A_65 = arith.constant 0 : i32
      %dma_wait3A_66 = arith.constant 0 : i32
      %dma_wait3A_67 = tpu.memref_slice %arg4[%rem3A_43, %dma_wait3A_65, %dma_wait3A_66] : memref<2x256x32xf32, #tpu.memory_space<vmem>> -> memref<1x256x32xf32, #tpu.memory_space<vmem>>
      %dma_wait3A_68 = tpu.memref_squeeze %dma_wait3A_67 : memref<1x256x32xf32, #tpu.memory_space<vmem>> -> memref<256x32xf32, #tpu.memory_space<vmem>>
      %dma_wait3A_69 = arith.constant 0 : i32
      %dma_wait3A_70 = tpu.memref_slice %arg2[%add3A_58, %dma_wait3A_69] : memref<1048576x32xf32, #tpu.memory_space<hbm>> -> memref<256x32xf32, #tpu.memory_space<hbm>>
      tpu.wait_dma2 semaphore(%arg5 : memref<!tpu.dma_semaphore, #tpu.memory_space<semaphore_mem>>) src(%dma_wait3A_70 : memref<256x32xf32, #tpu.memory_space<hbm>>) dst(%dma_wait3A_68 : memref<256x32xf32, #tpu.memory_space<vmem>>)
      %mul3A_71 = arith.constant 256 : i32
      %mul3A_72 = arith.muli %scan3A_41, %mul3A_71 : i32
      %add3A_73 = arith.addi %mul3A_2, %mul3A_72 : i32
      %dma_start3A_74 = arith.constant 0 : i32
      %dma_start3A_75 = arith.constant 0 : i32
      %dma_start3A_76 = tpu.memref_slice %arg4[%rem3A_43, %dma_start3A_74, %dma_start3A_75] : memref<2x256x32xf32, #tpu.memory_space<vmem>> -> memref<1x256x32xf32, #tpu.memory_space<vmem>>
      %dma_start3A_77 = tpu.memref_squeeze %dma_start3A_76 : memref<1x256x32xf32, #tpu.memory_space<vmem>> -> memref<256x32xf32, #tpu.memory_space<vmem>>
      %dma_start3A_78 = arith.constant 0 : i32
      %dma_start3A_79 = tpu.memref_slice %arg3[%add3A_73, %dma_start3A_78] : memref<1048576x32xf32, #tpu.memory_space<hbm>> -> memref<256x32xf32, #tpu.memory_space<hbm>>
      %dma_start3A_80 = arith.constant 0 : i32
      %dma_start3A_81 = tpu.memref_slice %arg3[%add3A_73, %dma_start3A_80] : memref<1048576x32xf32, #tpu.memory_space<hbm>> -> memref<256x32xf32, #tpu.memory_space<hbm>>
      %dma_start3A_82 = arith.constant 0 : i32
      %dma_start3A_83 = arith.constant 0 : i32
      %dma_start3A_84 = tpu.memref_slice %arg4[%rem3A_43, %dma_start3A_82, %dma_start3A_83] : memref<2x256x32xf32, #tpu.memory_space<vmem>> -> memref<1x256x32xf32, #tpu.memory_space<vmem>>
      %dma_start3A_85 = tpu.memref_squeeze %dma_start3A_84 : memref<1x256x32xf32, #tpu.memory_space<vmem>> -> memref<256x32xf32, #tpu.memory_space<vmem>>
      tpu.enqueue_dma source(%dma_start3A_85 : memref<256x32xf32, #tpu.memory_space<vmem>>) target(%dma_start3A_81 : memref<256x32xf32, #tpu.memory_space<hbm>>) target_semaphore(%arg6 : memref<!tpu.dma_semaphore, #tpu.memory_space<semaphore_mem>>)
    }
    %scan3A_24 = arith.constant 128 : i32
    %rem3A_25 = arith.constant 127 : i32
    %rem3A_26 = arith.constant 2 : i32
    %rem3A_27 = arith.remsi %rem3A_25, %rem3A_26 : i32
    %add3A_28 = arith.constant 32512 : i32
    %add3A_29 = arith.addi %mul3A_2, %add3A_28 : i32
    %dma_wait3A = arith.constant 0 : i32
    %dma_wait3A_30 = arith.constant 0 : i32
    %dma_wait3A_31 = tpu.memref_slice %arg4[%rem3A_27, %dma_wait3A, %dma_wait3A_30] : memref<2x256x32xf32, #tpu.memory_space<vmem>> -> memref<1x256x32xf32, #tpu.memory_space<vmem>>
    %dma_wait3A_32 = tpu.memref_squeeze %dma_wait3A_31 : memref<1x256x32xf32, #tpu.memory_space<vmem>> -> memref<256x32xf32, #tpu.memory_space<vmem>>
    %dma_wait3A_33 = arith.constant 0 : i32
    %dma_wait3A_34 = tpu.memref_slice %arg3[%add3A_29, %dma_wait3A_33] : memref<1048576x32xf32, #tpu.memory_space<hbm>> -> memref<256x32xf32, #tpu.memory_space<hbm>>
    %dma_wait3A_35 = arith.constant 0 : i32
    %dma_wait3A_36 = tpu.memref_slice %arg3[%add3A_29, %dma_wait3A_35] : memref<1048576x32xf32, #tpu.memory_space<hbm>> -> memref<256x32xf32, #tpu.memory_space<hbm>>
    %dma_wait3A_37 = arith.constant 0 : i32
    %dma_wait3A_38 = arith.constant 0 : i32
    %dma_wait3A_39 = tpu.memref_slice %arg4[%rem3A_27, %dma_wait3A_37, %dma_wait3A_38] : memref<2x256x32xf32, #tpu.memory_space<vmem>> -> memref<1x256x32xf32, #tpu.memory_space<vmem>>
    %dma_wait3A_40 = tpu.memref_squeeze %dma_wait3A_39 : memref<1x256x32xf32, #tpu.memory_space<vmem>> -> memref<256x32xf32, #tpu.memory_space<vmem>>
    tpu.wait_dma2 semaphore(%arg6 : memref<!tpu.dma_semaphore, #tpu.memory_space<semaphore_mem>>) src(%dma_wait3A_40 : memref<256x32xf32, #tpu.memory_space<vmem>>) dst(%dma_wait3A_36 : memref<256x32xf32, #tpu.memory_space<hbm>>)
    return
  }
}

</mosaic_0001>

<sc_bundles>
// kernel: _sc_swap.3.cloned.1.call-start
scs
__scs_entry_jumppad:
0x0: {  	(pc) =	sbr.rel $0x88, $3  }
0x1: {  	(tag) =	ssettag $0x0;
	lr =	simm.s32 $0x1  }
0x2: {  	[smem:$0x3FA0] =	sst lr;
	_ =	strace $0xD0000000  }
0x3: {  	_ = 	snop  }
0x4: {  	_ = 	snop  }
0x5: {  	_ = 	snop  }
0x6: {  	_ = 	snop  }
0x7: {  	_ = 	snop  }
__scs_overlays_trampoline_lowered:
0x8: {  	[smem:$0x3FAF] =	sst s0  }
0x9: {  	[smem:$0x3FB0] =	sst s1  }
0xa: {  	[smem:$0x3FB1] =	sst s2  }
0xb: {  	[smem:$0x3FB2] =	sst s3  }
0xc: {  	[smem:$0x3FB3] =	sst s4  }
0xd: {  	[smem:$0x3FB4] =	sst s5  }
0xe: {  	[smem:$0x3FB5] =	sst s6  }
0xf: {  	[smem:$0x3FB6] =	sst s7  }
0x10: {  	[smem:$0x3FB7] =	sst s8  }
0x11: {  	[smem:$0x3FB8] =	sst s9;
	s0 =	simm.s32 @!p0 $0x0  }
0x12: {  	s1 =	sld [smem:$0x3F9E];
	s0 =	simm.s32 @p0 $0x1  }
0x13: {  	[smem:$0x3FB9] =	sst s0;
	s0 =	simm.s32 @!p1 $0x0  }
0x14: {  	s2 =	sld [smem:$0x3F9D];
	s0 =	simm.s32 @p1 $0x1  }
0x15: {  	[smem:$0x3FBA] =	sst s0;
	s0 =	simm.s32 @!p2 $0x0  }
0x16: {  	s3 =	sld [smem:$0x3FDB];
	s0 =	simm.s32 @p2 $0x1  }
0x17: {  	s4 =	simm.s32 $0x1BF5;
	[smem:$0x3FBC] =	sst s0  }
0x18: {  	s0 =	sld [smem:$0x3F9F];
	_ =	swait.ge [sflag:s4], $0x0  }
0x19: {  	s7 =	sld [smem:$0x3FA0]  }
0x1a: {  	s8 =	sadd.s32 $0xFFFFE003, lr  }
0x1b: {  	s9 =	sadd.s32 $0xFFFFFEF7, lr;
	s5 =	simm.s32 $0xFFFFFFFF;
	p2 =	slt.u32 s8, $0xFFFFF086  }
0x1c: {  	p1 =	slt.u32 s9, $0xF7A;
	s5 =	simm.s32 @!p2 $0x0  }
0x1d: {  	s5 =	simm.s32 @p1 $0x1;
	p0 =	seq.s32 s7, s2  }
0x1e: {  	s7 =	smul.u32 @!p0 $0xF7A, s2;
	p2 =	seq.s32 @!p0 s5, $0x0  }
0x1f: {  	s9 =	smul.u32 $0xF7A, s1;
	s8 =	simm.s32 @!p0 $0x1BF5;
	p2 =	por !p2, p0  }
0x20: {  	[sflag:s8] =	ssyncset.s32 @!p0 $0xFFFFF086;
	s6 =	sadd.s32 @!p0 s3, s7;
	s7 =	simm.s32 @!p0 $0x108  }
0x21: {  	s3 =	sadd.s32 s3, s9;
	s6 =	sadd.s32 @!p0 $0x88, s6;
	s7 =	simm.s32 @p2 $0x1082  }
0x22: {  	[simem:s7], [sflag:s8] =	dma.local @!p0 [hbm:s6], $0xF7A  }
0x23: {  	s9 =	sor.u32 $0xD0000000, s2;
	s6 =	simm.s32 $0x108;
	_ =	swait.ge @!p0 [sflag:s8], $0x0  }
0x24: {  	s3 =	sadd.s32 $0x88, s3;
	s6 =	simm.s32 @!p1 $0x1082;
	[sflag:s4] =	ssyncset.s32 $0xFFFFF086  }
0x25: {  	[simem:s6], [sflag:s4] =	dma.local [hbm:s3], $0xF7A  }
0x26: {  	[smem:$0x3FA0] =	sst s1;
	(tag) =	ssettag s2;
	_ =	strace s9  }
0x27: {  	s1 =	sld [smem:$0x3FB0]  }
0x28: {  	s2 =	sld [smem:$0x3FB1]  }
0x29: {  	s4 =	sld [smem:$0x3FB3]  }
0x2a: {  	p0 =	seq.s32 s5, $0x0;
	s5 =	sld [smem:$0x3FB4]  }
0x2b: {  	s6 =	sld [smem:$0x3FB5]  }
0x2c: {  	s7 =	sld [smem:$0x3FB6]  }
0x2d: {  	s3 =	simm.s32 $0x108;
	s8 =	sld [smem:$0x3FB7]  }
0x2e: {  	s3 =	simm.s32 @!p0 $0x1082;
	s9 =	sld [smem:$0x3FB8]  }
0x2f: {  	lr =	sadd.s32 s0, s3;
	s0 =	sld [smem:$0x3FAF]  }
0x30: {  	s3 =	sld [smem:$0x3FB2]  }
0x31: {  	[smem:$0x3FBB] =	sst s10  }
0x32: {  	s10 =	sld [smem:$0x3FB9];
	_ =	sdelay $0x3  }
0x33: {  	p0 =	seq.s32 s10, $0x1;
	s10 =	sld [smem:$0x3FBB];
	_ =	sdelay $0x3  }
0x34: {  	[smem:$0x3FBB] =	sst s10  }
0x35: {  	s10 =	sld [smem:$0x3FBA];
	_ =	sdelay $0x3  }
0x36: {  	p1 =	seq.s32 s10, $0x1;
	s10 =	sld [smem:$0x3FBB];
	_ =	sdelay $0x3  }
0x37: {  	[smem:$0x3FBB] =	sst s10  }
0x38: {  	s10 =	sld [smem:$0x3FBC]  }
0x39: {  	_ = 	snop;
	(pc) =	sbr.ind lr, $3  }
0x3a: {  	_ = 	snop  }
0x3b: {  	_ = 	snop  }
0x3c: {  	p2 =	seq.s32 s10, $0x1;
	s10 =	sld [smem:$0x3FBB]  }
0x3d: {  	_ =	shalt  }
0x3e: {  	_ =	shalt  }
0x3f: {  	_ =	shalt  }
0x40: {  	_ =	shalt  }
0x41: {  	_ =	shalt  }
0x42: {  	_ =	shalt  }
0x43: {  	_ =	shalt  }
0x44: {  	_ =	shalt  }
0x45: {  	_ =	shalt  }
0x46: {  	_ =	shalt  }
0x47: {  	_ =	shalt  }
0x48: {  	_ =	shalt  }
0x49: {  	_ =	shalt  }
0x4a: {  	_ =	shalt  }
0x4b: {  	_ =	shalt  }
0x4c: {  	_ =	shalt  }
0x4d: {  	_ =	shalt  }
0x4e: {  	_ =	shalt  }
0x4f: {  	_ =	shalt  }
0x50: {  	_ =	shalt  }
0x51: {  	_ =	shalt  }
0x52: {  	_ =	shalt  }
0x53: {  	_ =	shalt  }
0x54: {  	_ =	shalt  }
0x55: {  	_ =	shalt  }
0x56: {  	_ =	shalt  }
0x57: {  	_ =	shalt  }
0x58: {  	_ =	shalt  }
0x59: {  	_ =	shalt  }
0x5a: {  	_ =	shalt  }
0x5b: {  	_ =	shalt  }
0x5c: {  	_ =	shalt  }
0x5d: {  	_ =	shalt  }
0x5e: {  	_ =	shalt  }
0x5f: {  	_ =	shalt  }
0x60: {  	_ =	shalt  }
0x61: {  	_ =	shalt  }
0x62: {  	_ =	shalt  }
0x63: {  	_ =	shalt  }
0x64: {  	_ =	shalt  }
0x65: {  	_ =	shalt  }
0x66: {  	_ =	shalt  }
0x67: {  	_ =	shalt  }
0x68: {  	_ =	shalt  }
0x69: {  	_ =	shalt  }
0x6a: {  	_ =	shalt  }
0x6b: {  	_ =	shalt  }
0x6c: {  	_ =	shalt  }
0x6d: {  	_ =	shalt  }
0x6e: {  	_ =	shalt  }
0x6f: {  	_ =	shalt  }
0x70: {  	_ =	shalt  }
0x71: {  	_ =	shalt  }
0x72: {  	_ =	shalt  }
0x73: {  	_ =	shalt  }
0x74: {  	_ =	shalt  }
0x75: {  	_ =	shalt  }
0x76: {  	_ =	shalt  }
0x77: {  	_ =	shalt  }
0x78: {  	_ =	shalt  }
0x79: {  	_ =	shalt  }
0x7a: {  	_ =	shalt  }
0x7b: {  	_ =	shalt  }
0x7c: {  	_ =	shalt  }
0x7d: {  	_ =	shalt  }
0x7e: {  	_ =	shalt  }
0x7f: {  	_ =	shalt  }
0x80: {  	_ =	shalt  }
0x81: {  	_ =	shalt  }
0x82: {  	_ =	shalt  }
0x83: {  	_ =	shalt  }
0x84: {  	_ =	shalt  }
0x85: {  	_ =	shalt  }
0x86: {  	_ =	shalt  }
0x87: {  	_ =	shalt  }
.Lfunc_end0:
.L_simem_size_0:
called_computation_lowered:
.L_overlay_start_0:
0x88: {  	s2 =	sld [smem:$0x3FD9]  }
0x89: {  	s3 =	sld [smem:$0x3FFE];
	_ =	sdelay $0x1  }
0x8a: {  	s1 =	srdreg.scid  }
0x8b: {  	s0 =	sand.u32 $0x1, s1  }
0x8c: {  	s16 =	sshll.u32 s0, $0xA;
	s2 =	sadd.s32 s3, s2  }
0x8d: {  	s2 =	sadd.s32 s2, s16  }
0x8e: {  	[smem:$0x3FC7] =	sst s2  }
0x8f: {  	_ = 	snop  }
0x90: {  	(tm) =	ssettm $0x1  }
0x91: {  	s17 =	sld [smem:$0x3FFB];
	_ =	sdelay $0x3  }
0x92: {  	_ =	strace s17  }
0x93: {  	s2 =	sld [smem:$0x3FFC];
	_ =	sdelay $0x3  }
0x94: {  	_ =	strace s2  }
0x95: {  	s2 =	sld [smem:$0x3FFD];
	_ =	sdelay $0x3  }
0x96: {  	_ =	strace s2  }
0x97: {  	_ =	strace $0x8FFFFFFF  }
0x98: {  	s18 =	sld [smem:$0x3FDB];
	_ =	sdelay $0x1  }
0x99: {  	s19 =	simm.s32 $_scs_section_size  }
0x9a: {  	s4 =	simm.s32 $_size__tile_overlayer_lowered;
	s5 =	simm.s32 $_tile_overlayer_lowered  }
0x9b: {  	s22 =	simm.s32 $0x1BFF;
	s21 =	sshll.u32 s5, $0x1;
	s2 =	sadd.s32 s19, s18  }
0x9c: {  	s6 =	simm.s32 $0x0;
	s20 =	sshll.u32 s4, $0x1;
	s4 =	sadd.s32 s21, s2  }
0x9d: {  	[timem:s6], [sflag:s22] =	dma.local [hbm:s4], s20  }
0x9e: {  	_ =	swait.ge [sflag:s22], s20  }
0x9f: {  	s3 =	ssub.s32 $0x0, s20;
	[sflag:s22] =	ssyncset.done $0x0  }
0xa0: {  	[sflag:s22] =	ssyncadd.s32 s3;
	_ =	sdelay $0x1  }
0xa1: {  	s23 =	simm.s32 $0x1B8B  }
0xa2: {  	_ =	swait.ge [sflag:s23], $0x1  }
0xa3: {  	[sflag:s23] =	ssyncset.done $0x0  }
0xa4: {  	s25 =	simm.s32 $0x1B8E;
	s24 =	sld [smem:$0x3FFE];
	[sflag:s23] =	ssyncadd.s32 $0xFFFFFFFF  }
0xa5: {  	s26 =	simm.s32 $execute0_lowered;
	[smem:$0x3FD2] =	sst s25  }
0xa6: {  	s4 =	sshll.u32 s26, $0x1;
	_ =	strace $0x80000046;
	[dreg:$0x1] =	wrdreg $0xFFFFFFFF  }
0xa7: {  	s28 =	simm.s32 $_size_execute0_lowered;
	s2 =	sadd.s32 s2, s4;
	[dreg:$0x0] =	wrdreg $0x0  }
0xa8: {  	s4 =	sshll.u32 s28, $0x1;
	[dreg:$0x2] =	wrdreg s2  }
0xa9: {  	[dreg:$0x3] =	wrdreg s4  }
0xaa: {  	[dreg:$0x4] =	wrdreg $0xC0  }
0xab: {  	_ =	task [dreg:s6], $0x5FFFF  }
0xac: {  	[dreg:$0x1] =	wrdreg $0xFFFFFFFF  }
0xad: {  	[dreg:$0x0] =	wrdreg $0x60  }
0xae: {  	[dreg:$0x2] =	wrdreg s24  }
0xaf: {  	[dreg:$0x3] =	wrdreg $0x9  }
0xb0: {  	_ =	task.clear_ibuf [dreg:s6], $0x4FFFF;
	_ =	strace $0x90000046  }
0xb1: {  	s29 =	simm.s32 $0x9;
	_ =	strace $0x80000048  }
0xb2: {  	_ =	swait.ge [sflag:s29], $0x1  }
0xb3: {  	[sflag:s29] =	ssyncadd.s32 $0xFFFFFFFF  }
0xb4: {  	_ =	strace $0x90000048  }
0xb5: {  	_ =	sfence  }
0xb6: {  	s30 =	sld [smem:$0x0];
	_ =	sdelay $0x2  }
0xb7: {  	s31 =	sshll.u32 s1, $0xD;
	s1 =	sshrl.u32 s1, $0x2  }
0xb8: {  	s3 =	sand.u32 $0x4000, s31;
	s1 =	sadd.s32 s1, s30  }
0xb9: {  	s0 =	sor.u32 s3, s0;
	s1 =	sshll.u32 s1, $0x11  }
0xba: {  	s0 =	sor.u32 s1, s0  }
0xbb: {  	s0 =	sadd.s32 $0x8F2B, s0  }
0xbc: {  	[sflag:s0] =	ssyncadd.remote.s32 $0x1  }
0xbd: {  	_ =	sfence.sel $0xFFFF  }
0xbe: {  	[dreg:$0x0] =	wrdreg $0xFFFFFFFF;
	(pc) =	sbr.abs _section_cstart, $3  }
0xbf: {  	[dreg:$0x1] =	wrdreg $0xFFFFFFFF  }
0xc0: {  	_ =	task.clear_ibuf [dreg:s6], $0x2FFFF;
	_ =	strace $0x9FFFFFFF  }
0xc1: {  	(tm) =	ssettm $0x7FFFFFFF  }
tec
execute0_lowered:
.L_overlay_start_1:
0x0: {  	(tag) =	ssettag $0x1  }
0x1: {  	s1 =	srdreg.scid  }
0x2: {  	s0 =	stileid.u32;
	s4 =	rddreg [dreg:$0x0]  }
0x3: {  	s2 =	simm.s32 $0x0;
	s11 =	simm.s32 $0x1;
	s12 =	simm.s32 $0x2  }
0x4: {  	s13 =	simm.s32 $0x0;
	s3 =	sand.u32 $0x1, s1;
	s1 =	rddreg [dreg:$0x1]  }
0x5: {  	s6 =	sshll.u32 s0, $0x14;
	[smem:$0x7FF] =	sst s2;
	s8 =	sshll.u32 s3, $0x13  }
0x6: {  	s10 =	sadd.s32 $0x1000400, s4;
	s3 =	ssub.s32 $0x2, s3;
	s5 =	sor.u32 s8, s6  }
0x7: {  	_ =	strace $0x80000047;
	s31 =	sshrl.u32 s3, $0x1;
	s7 =	sxor.u32 $0x800000, s5  }
0x8: {  	s9 =	sadd.s32 s7, s4;
	s7 =	ssub.s32 s3, s31;
	s4 =	sadd.s32 s10, s5  }
0x9: {  	s10 =	sadd.s32 s6, s10;
	s3 =	sadd.s32 $0x400, s9;
	s5 =	smax.u32 s7, $0x1  }
0xa: {  	s6 =	sadd.s32 $0x1400, s9;
	s7 =	sadd.s32 $0x7F000, s4;
	s8 =	sadd.s32 s8, s10  }
0xb: {  	s9 =	sadd.s32 $0x2400, s9;
	s10 =	simm.s32 $0x8000;
	s8 =	sadd.s32 $0x1000, s8  }
.LBB2_1:
0xc: {  	[tilespmem:s2], [sflag:$0x1] =	stream.linear.gather [hbm4b:s3+s2], $0x8000, $0x38;
	[tilespmem:$0x10000] =	vst v63  }
0xd: {  	_ = 	snop  }
0xe: {  	[tilespmem:s10], [sflag:$0x1] =	stream.linear.gather [hbm4b:s6+s2], $0x8000, $0x38;
	[tilespmem:$0x10000] =	vst v63  }
0xf: {  	_ =	swait.ge [sflag:s11], $0x8000  }
0x10: {  	[sflag:s11] =	ssyncset.done $0x0  }
0x11: {  	[sflag:s11] =	ssyncadd.s32 $0xFFFF8000  }
0x12: {  	[hbm4b:s4+s2] =	stream.linear.scatter [tilespmem:s2], [sflag:$0x2], $0x8000, $0x38;
	[tilespmem:$0x10000] =	vst v63  }
0x13: {  	s14 =	simm.s32 $0x40000;
	_ =	swait.ge [sflag:s12], $0x8000  }
0x14: {  	s14 =	sand.u32 $0x20000, s14;
	[sflag:s12] =	ssyncset.done $0x0  }
0x15: {  	s15 =	simm.s32 $0x20000;
	s14 =	sshrl.u32 s14, $0x2;
	[sflag:s12] =	ssyncadd.s32 $0xFFFF8000  }
0x16: {  	[tilespmem:s14], [sflag:$0x1] =	stream.linear.gather [hbm4b:s9+s2], $0x8000, $0x38;
	[tilespmem:$0x10000] =	vst v63  }
0x17: {  	s17 =	smov.u32 s8;
	s16 =	sand.u32 $0x20000, s15;
	_ =	swait.ge [sflag:s11], $0x8000  }
0x18: {  	s15 =	sadd.s32 $0x1000, s9;
	s18 =	sshrl.u32 s16, $0x2;
	[sflag:s11] =	ssyncset.done $0x0  }
0x19: {  	s16 =	sadd.s32 $0x1000, s8;
	s14 =	simm.s32 $0x60000;
	[sflag:s11] =	ssyncadd.s32 $0xFFFF8000  }
.LBB2_2:
0x1a: {  	[hbm4b:s17+s2] =	stream.linear.scatter [tilespmem:s18], [sflag:$0x2], $0x8000, $0x38;
	[tilespmem:$0x10000] =	vst v63  }
0x1b: {  	s18 =	smov.u32 s14;
	s17 =	smov.u32 s16  }
0x1c: {  	p0 =	sne.s32 s14, $0xFE0000;
	s14 =	sadd.s32 $0x20000, s14;
	_ =	swait.ge [sflag:s12], $0x8000  }
0x1d: {  	s19 =	sand.u32 $0x20000, s18;
	[sflag:s12] =	ssyncset.done $0x0  }
.Ltmp0:
0x1e: {  	s19 =	sshrl.u32 s19, $0x2;
	[sflag:s12] =	ssyncadd.s32 $0xFFFF8000;
	(pc) =	sbr.rel @p0 .LBB2_2-.Ltmp0, $4  }
0x1f: {  	[tilespmem:s19], [sflag:$0x1] =	stream.linear.gather [hbm4b:s15+s2], $0x8000, $0x38;
	[tilespmem:$0x10000] =	vst v63  }
0x20: {  	s18 =	sadd.s32 $0xFFFE0000, s18;
	_ =	swait.ge [sflag:s11], $0x8000  }
0x21: {  	s18 =	sand.u32 $0x20000, s18;
	s15 =	sadd.s32 $0x1000, s15;
	[sflag:s11] =	ssyncset.done $0x0  }
0x22: {  	s16 =	sadd.s32 $0x1000, s16;
	s18 =	sshrl.u32 s18, $0x2;
	[sflag:s11] =	ssyncadd.s32 $0xFFFF8000  }
0x23: {  	[hbm4b:s17+s2] =	stream.linear.scatter [tilespmem:s18], [sflag:$0x2], $0x8000, $0x38;
	[tilespmem:$0x10000] =	vst v63  }
0x24: {  	_ =	swait.ge [sflag:s12], $0x8000  }
0x25: {  	[sflag:s12] =	ssyncset.done $0x0  }
0x26: {  	[sflag:s12] =	ssyncadd.s32 $0xFFFF8000  }
0x27: {  	s13 =	sadd.s32 $0x1, s13;
	_ =	swait.ge [sflag:s11], $0x8000  }
0x28: {  	p0 =	sne.s32 s13, s5;
	[sflag:s11] =	ssyncset.done $0x0  }
.Ltmp1:
0x29: {  	[sflag:s11] =	ssyncadd.s32 $0xFFFF8000;
	(pc) =	sbr.rel @p0 .LBB2_1-.Ltmp1, $4  }
0x2a: {  	[hbm4b:s7+s2] =	stream.linear.scatter [tilespmem:s10], [sflag:$0x2], $0x8000, $0x38;
	[tilespmem:$0x10000] =	vst v63  }
0x2b: {  	_ =	swait.ge [sflag:s12], $0x8000  }
0x2c: {  	[sflag:s12] =	ssyncset.done $0x0  }
0x2d: {  	[sflag:s12] =	ssyncadd.s32 $0xFFFF8000  }
0x2e: {  	_ =	sfence.sel $0x180000  }
0x2f: {  	[bflag:$0x0] =	sbarrier.arrive $0xFFFF  }
0x30: {  	p0 =	sne.s32 s0, $0x0;
	_ =	strace $0x90000047  }
0x31: {  	s0 =	sadd.s32 @!p0 $0x100000, s1;
	[bflag:$0x2] =	sbarrier.arrive $0xFFFF  }
0x32: {  	[sflag:s0] =	ssyncadd.tile.s32 @!p0 $0x1;
	_ =	shalt  }
.Lfunc_end2:
_tile_overlayer_lowered:
.L_overlay_start_2:
0x33: {  	(tag) =	ssettag $0x2  }
0x34: {  	s0 =	rddreg [dreg:$0x0];
	s2 =	stileid.u32  }
0x35: {  	s1 =	rddreg [dreg:$0x1];
	p0 =	sne.s32 s2, $0x0  }
0x36: {  	s3 =	rddreg [dreg:$0x2];
	[bflag:$0x3] =	sbarrier.arrive $0xFFFF;
	s2 =	simm.s32 @!p0 $0x1C03  }
0x37: {  	[timem:s3], [sflag:s2] =	dma.local @!p0 [hbm:s0], s1  }
0x38: {  	s0 =	simm.s32 @!p0 $0x3  }
0x39: {  	_ =	swait.ge @!p0 [sflag:s0], s1  }
0x3a: {  	s1 =	ssub.s32 @!p0 $0x0, s1;
	[sflag:s0] =	ssyncset.done @!p0 $0x0  }
0x3b: {  	[sflag:s0] =	ssyncadd.s32 @!p0 s1  }
0x3c: {  	[bflag:$0x3] =	sbarrier.arrive $0xFFFF  }
0x3d: {  	_ =	shalt  }

</sc_bundles>
